<compile_context>
chip_gen: v7x
topology: tpu7x:2x2x1
jax: 0.10.2.dev20260603
libtpu: 0.0.44.dev20260713+nightly
codegen_flags: <defaults>
</compile_context>

<pallas_src>
import jax
import jax.numpy as jnp
from jax import lax
from jax.experimental import pallas as pl
from jax.experimental.pallas import tpu as pltpu
from jax.experimental.pallas import tpu_sc as plsc

VOCAB = 1000000
EMB = 64
HID = 256
B = 4096
L = 200

NC = 2
NS = 16
NW = NC * NS
BPW = B // NW
NLANE = 16
NGRP = EMB // NLANE
CA = 104
CB = L - CA


def _sc_body(mA_hbm, mB_hbm, table_hbm, out_hbm,
             mA_v, mB_v, gA, gB, acc_v, sm0):
    wid = lax.axis_index("s") * NC + lax.axis_index("c")
    pltpu.sync_copy(mA_hbm.at[wid], mA_v)
    pltpu.sync_copy(mB_hbm.at[wid], mB_v)

    def fire(r):
        pltpu.async_copy(table_hbm.at[mA_v.at[r]], gA, sm0)
        pltpu.async_copy(table_hbm.at[mB_v.at[r]], gB, sm0)

    def drain(r):
        pltpu.make_async_copy(table_hbm.at[mA_v.at[r]], gA, sm0).wait()
        pltpu.make_async_copy(table_hbm.at[mB_v.at[r]], gB, sm0).wait()

    fire(0)

    zero = jnp.zeros((NLANE,), jnp.float32)

    def outer(r, carry):
        drain(r)

        def redA(i, accs):
            return tuple(accs[k] + gA[i, 0, pl.ds(NLANE * k, NLANE)]
                         for k in range(NGRP))

        def redB(i, accs):
            return tuple(accs[k] + gB[i, 0, pl.ds(NLANE * k, NLANE)]
                         for k in range(NGRP))

        accA = lax.fori_loop(0, CA, redA, (zero,) * NGRP, unroll=4)
        accB = lax.fori_loop(0, CB, redB, (zero,) * NGRP, unroll=4)
        for k in range(NGRP):
            acc_v[r, pl.ds(NLANE * k, NLANE)] = accA[k] + accB[k]

        @pl.when(r + 1 < BPW)
        def _():
            fire(r + 1)

        return carry

    lax.fori_loop(0, BPW, outer, 0)
    pltpu.sync_copy(acc_v, out_hbm.at[pl.ds(wid * BPW, BPW)])


_sc_lookup = pl.kernel(
    _sc_body,
    out_type=jax.ShapeDtypeStruct((B, EMB), jnp.float32),
    mesh=plsc.VectorSubcoreMesh(core_axis_name="c", subcore_axis_name="s"),
    scratch_types=[
        pltpu.VMEM((BPW, CA), jnp.int32),
        pltpu.VMEM((BPW, CB), jnp.int32),
        pltpu.VMEM((CA, 1, EMB), jnp.float32),
        pltpu.VMEM((CB, 1, EMB), jnp.float32),
        pltpu.VMEM((BPW, EMB), jnp.float32),
        pltpu.SemaphoreType.DMA,
    ],
)


def _mlp_body(x_ref, w1_ref, b1_ref, w2_ref, b2_ref, o_ref):
    x = x_ref[...] * (1.0 / L)
    h = jnp.dot(x, w1_ref[...], preferred_element_type=jnp.float32) + b1_ref[...]
    h = jnp.maximum(h, 0.0)
    y = jnp.dot(h, w2_ref[...], preferred_element_type=jnp.float32) + b2_ref[...]
    o_ref[...] = 1.0 / (1.0 + jnp.exp(-y))


def kernel(input_ids, emb_table, W1, b1, W2, b2):
    ids = input_ids.astype(jnp.int32).reshape(NW, BPW, L)
    sums = _sc_lookup(ids[:, :, :CA], ids[:, :, CA:],
                      emb_table.reshape(VOCAB, 1, EMB))
    return pl.pallas_call(
        _mlp_body,
        out_shape=jax.ShapeDtypeStruct((B, 1), jnp.float32),
    )(sums, W1, b1.reshape(1, HID), W2, b2.reshape(1, 1))

# --- scband reference (transcript-rebuilt; emitter-appended) ---
"""Pipeline reference for scband-bow-mlp-88192858456803 (READ-ONLY COPY).

The authoritative reference and input builder live on the scoring server;
editing this copy changes nothing except your own understanding.
"""

import jax, jax.numpy as jnp
import numpy as np

VOCAB = 1000000
EMB = 64
HID = 256
B = 4096
L = 200

def setup_inputs(seed: int = 0) -> dict:
    key = jax.random.key(seed)
    k1, k2, k3, k4 = jax.random.split(key, 4)
    input_ids = jax.random.randint(k1, (B, L), 0, VOCAB)
    emb_table = jax.random.normal(k2, (VOCAB, EMB), dtype=jnp.float32) * 0.02
    emb_table = emb_table.at[0].set(0.0)  # padding_idx=0 row is zero
    W1 = jax.random.normal(k3, (EMB, HID), dtype=jnp.float32) * (1.0 / np.sqrt(EMB))
    b1 = jnp.zeros((HID,), dtype=jnp.float32)
    W2 = jax.random.normal(k4, (HID, 1), dtype=jnp.float32) * (1.0 / np.sqrt(HID))
    b2 = jnp.zeros((1,), dtype=jnp.float32)
    return {"input_ids": input_ids, "emb_table": emb_table, "W1": W1, "b1": b1, "W2": W2, "b2": b2}

def reference(input_ids, emb_table, W1, b1, W2, b2):
    # embedding lookup (padding_idx=0 handled by zeroed row 0)
    x = jnp.take(emb_table, input_ids, axis=0)  # [B, L, EMB]
    mean = x.mean(axis=1)  # [B, EMB]
    # MLP: Linear -> ReLU -> (Dropout = identity in eval) -> Linear -> Sigmoid
    h = jnp.maximum(mean @ W1 + b1, 0.0)
    out = jax.nn.sigmoid(h @ W2 + b2)  # [B, 1]
    return out

if __name__ == "__main__":
    import jax
    _d = setup_inputs()
    print(jax.jit(kernel)(*tuple(_d.values())))

</pallas_src>

<mosaic_0001>
#map = affine_map<(d0, d1) -> (0, 0, 0)>
#map1 = affine_map<(d0, d1) -> (0, 0)>
module attributes {stable_mosaic.version = 14 : i64} {
  func.func @_sc_body(%arg0: i32, %arg1: i32, %arg2: memref<32x128x104xi32, #tpu.memory_space<hbm>>, %arg3: memref<32x128x96xi32, #tpu.memory_space<hbm>>, %arg4: memref<1000000x1x64xf32, #tpu.memory_space<hbm>>, %arg5: memref<4096x64xf32, #tpu.memory_space<hbm>>, %arg6: memref<128x104xi32, #tpu.memory_space<vmem>>, %arg7: memref<128x96xi32, #tpu.memory_space<vmem>>, %arg8: memref<104x1x64xf32, #tpu.memory_space<vmem>>, %arg9: memref<96x1x64xf32, #tpu.memory_space<vmem>>, %arg10: memref<128x64xf32, #tpu.memory_space<vmem>>, %arg11: memref<!tpu.dma_semaphore, #tpu.memory_space<semaphore_mem>>) attributes {dimension_semantics = [#tpu.dimension_semantics<core_parallel>, #tpu.dimension_semantics<subcore_parallel>], iteration_bounds = array<i64: 2, 16>, scalar_prefetch = 0 : i64, scratch_operands = 6 : i64, tpu.core_type = #tpu.core_type<sc_vector_subcore>, window_params = [{transform_indices = #map}, {transform_indices = #map}, {transform_indices = #map}, {transform_indices = #map1}]} {
    %mul3A = arith.constant 2 : i32
    %mul3A_0 = arith.muli %arg1, %mul3A : i32
    %add3A = arith.addi %mul3A_0, %arg0 : i32
    "tpu.region"() ({
      %run_scoped3A = tpu.sem_alloc : memref<!tpu.dma_semaphore, #tpu.memory_space<semaphore_mem>>
      %dma_start3A_24 = arith.constant 0 : i32
      %dma_start3A_25 = arith.constant 0 : i32
      %dma_start3A_26 = tpu.memref_slice %arg2[%add3A, %dma_start3A_24, %dma_start3A_25] : memref<32x128x104xi32, #tpu.memory_space<hbm>> -> memref<1x128x104xi32, #tpu.memory_space<hbm>>
      %dma_start3A_27 = tpu.memref_squeeze %dma_start3A_26 : memref<1x128x104xi32, #tpu.memory_space<hbm>> -> memref<128x104xi32, #tpu.memory_space<hbm>>
      %dma_start3A_28 = arith.constant 0 : i32
      %dma_start3A_29 = arith.constant 0 : i32
      %dma_start3A_30 = tpu.memref_slice %arg2[%add3A, %dma_start3A_28, %dma_start3A_29] : memref<32x128x104xi32, #tpu.memory_space<hbm>> -> memref<1x128x104xi32, #tpu.memory_space<hbm>>
      %dma_start3A_31 = tpu.memref_squeeze %dma_start3A_30 : memref<1x128x104xi32, #tpu.memory_space<hbm>> -> memref<128x104xi32, #tpu.memory_space<hbm>>
      tpu.enqueue_dma source(%dma_start3A_31 : memref<128x104xi32, #tpu.memory_space<hbm>>) target(%arg6 : memref<128x104xi32, #tpu.memory_space<vmem>>) target_semaphore(%run_scoped3A : memref<!tpu.dma_semaphore, #tpu.memory_space<semaphore_mem>>)
      %dma_wait3A = arith.constant 0 : i32
      %dma_wait3A_32 = arith.constant 0 : i32
      %dma_wait3A_33 = tpu.memref_slice %arg2[%add3A, %dma_wait3A, %dma_wait3A_32] : memref<32x128x104xi32, #tpu.memory_space<hbm>> -> memref<1x128x104xi32, #tpu.memory_space<hbm>>
      %dma_wait3A_34 = tpu.memref_squeeze %dma_wait3A_33 : memref<1x128x104xi32, #tpu.memory_space<hbm>> -> memref<128x104xi32, #tpu.memory_space<hbm>>
      %dma_wait3A_35 = arith.constant 0 : i32
      %dma_wait3A_36 = arith.constant 0 : i32
      %dma_wait3A_37 = tpu.memref_slice %arg2[%add3A, %dma_wait3A_35, %dma_wait3A_36] : memref<32x128x104xi32, #tpu.memory_space<hbm>> -> memref<1x128x104xi32, #tpu.memory_space<hbm>>
      %dma_wait3A_38 = tpu.memref_squeeze %dma_wait3A_37 : memref<1x128x104xi32, #tpu.memory_space<hbm>> -> memref<128x104xi32, #tpu.memory_space<hbm>>
      tpu.wait_dma2 semaphore(%run_scoped3A : memref<!tpu.dma_semaphore, #tpu.memory_space<semaphore_mem>>) src(%dma_wait3A_38 : memref<128x104xi32, #tpu.memory_space<hbm>>) dst(%arg6 : memref<128x104xi32, #tpu.memory_space<vmem>>)
      tpu.yield
    }) : () -> ()
    "tpu.region"() ({
      %run_scoped3A = tpu.sem_alloc : memref<!tpu.dma_semaphore, #tpu.memory_space<semaphore_mem>>
      %dma_start3A_24 = arith.constant 0 : i32
      %dma_start3A_25 = arith.constant 0 : i32
      %dma_start3A_26 = tpu.memref_slice %arg3[%add3A, %dma_start3A_24, %dma_start3A_25] : memref<32x128x96xi32, #tpu.memory_space<hbm>> -> memref<1x128x96xi32, #tpu.memory_space<hbm>>
      %dma_start3A_27 = tpu.memref_squeeze %dma_start3A_26 : memref<1x128x96xi32, #tpu.memory_space<hbm>> -> memref<128x96xi32, #tpu.memory_space<hbm>>
      %dma_start3A_28 = arith.constant 0 : i32
      %dma_start3A_29 = arith.constant 0 : i32
      %dma_start3A_30 = tpu.memref_slice %arg3[%add3A, %dma_start3A_28, %dma_start3A_29] : memref<32x128x96xi32, #tpu.memory_space<hbm>> -> memref<1x128x96xi32, #tpu.memory_space<hbm>>
      %dma_start3A_31 = tpu.memref_squeeze %dma_start3A_30 : memref<1x128x96xi32, #tpu.memory_space<hbm>> -> memref<128x96xi32, #tpu.memory_space<hbm>>
      tpu.enqueue_dma source(%dma_start3A_31 : memref<128x96xi32, #tpu.memory_space<hbm>>) target(%arg7 : memref<128x96xi32, #tpu.memory_space<vmem>>) target_semaphore(%run_scoped3A : memref<!tpu.dma_semaphore, #tpu.memory_space<semaphore_mem>>)
      %dma_wait3A = arith.constant 0 : i32
      %dma_wait3A_32 = arith.constant 0 : i32
      %dma_wait3A_33 = tpu.memref_slice %arg3[%add3A, %dma_wait3A, %dma_wait3A_32] : memref<32x128x96xi32, #tpu.memory_space<hbm>> -> memref<1x128x96xi32, #tpu.memory_space<hbm>>
      %dma_wait3A_34 = tpu.memref_squeeze %dma_wait3A_33 : memref<1x128x96xi32, #tpu.memory_space<hbm>> -> memref<128x96xi32, #tpu.memory_space<hbm>>
      %dma_wait3A_35 = arith.constant 0 : i32
      %dma_wait3A_36 = arith.constant 0 : i32
      %dma_wait3A_37 = tpu.memref_slice %arg3[%add3A, %dma_wait3A_35, %dma_wait3A_36] : memref<32x128x96xi32, #tpu.memory_space<hbm>> -> memref<1x128x96xi32, #tpu.memory_space<hbm>>
      %dma_wait3A_38 = tpu.memref_squeeze %dma_wait3A_37 : memref<1x128x96xi32, #tpu.memory_space<hbm>> -> memref<128x96xi32, #tpu.memory_space<hbm>>
      tpu.wait_dma2 semaphore(%run_scoped3A : memref<!tpu.dma_semaphore, #tpu.memory_space<semaphore_mem>>) src(%dma_wait3A_38 : memref<128x96xi32, #tpu.memory_space<hbm>>) dst(%arg7 : memref<128x96xi32, #tpu.memory_space<vmem>>)
      tpu.yield
    }) : () -> ()
    %dma_start3A = arith.constant 0 : i32
    %dma_start3A_1 = arith.constant 0 : i32
    %dma_start3A_2 = tpu.memref_slice %arg6[%dma_start3A, %dma_start3A_1] : memref<128x104xi32, #tpu.memory_space<vmem>> -> memref<1x104xi32, #tpu.memory_space<vmem>>
    %dma_start3A_3 = tpu.memref_squeeze %dma_start3A_2 : memref<1x104xi32, #tpu.memory_space<vmem>> -> memref<104xi32, #tpu.memory_space<vmem>>
    %dma_start3A_4 = arith.constant 0 : i32
    %dma_start3A_5 = arith.constant 0 : i32
    %dma_start3A_6 = arith.constant 0 : i32
    %dma_start3A_7 = tpu.memref_slice %arg4[%dma_start3A_4, %dma_start3A_5, %dma_start3A_6] : memref<1000000x1x64xf32, #tpu.memory_space<hbm>> -> memref<1000000x1x64xf32, #tpu.memory_space<hbm>>
    tpu.enqueue_indirect_dma source(%dma_start3A_7 : memref<1000000x1x64xf32, #tpu.memory_space<hbm>>) target(%arg8 : memref<104x1x64xf32, #tpu.memory_space<vmem>>) offsets(%dma_start3A_3 : memref<104xi32, #tpu.memory_space<vmem>>) semaphore(%arg11 : memref<!tpu.dma_semaphore, #tpu.memory_space<semaphore_mem>>)
    %dma_start3A_8 = arith.constant 0 : i32
    %dma_start3A_9 = arith.constant 0 : i32
    %dma_start3A_10 = tpu.memref_slice %arg7[%dma_start3A_8, %dma_start3A_9] : memref<128x96xi32, #tpu.memory_space<vmem>> -> memref<1x96xi32, #tpu.memory_space<vmem>>
    %dma_start3A_11 = tpu.memref_squeeze %dma_start3A_10 : memref<1x96xi32, #tpu.memory_space<vmem>> -> memref<96xi32, #tpu.memory_space<vmem>>
    %dma_start3A_12 = arith.constant 0 : i32
    %dma_start3A_13 = arith.constant 0 : i32
    %dma_start3A_14 = arith.constant 0 : i32
    %dma_start3A_15 = tpu.memref_slice %arg4[%dma_start3A_12, %dma_start3A_13, %dma_start3A_14] : memref<1000000x1x64xf32, #tpu.memory_space<hbm>> -> memref<1000000x1x64xf32, #tpu.memory_space<hbm>>
    tpu.enqueue_indirect_dma source(%dma_start3A_15 : memref<1000000x1x64xf32, #tpu.memory_space<hbm>>) target(%arg9 : memref<96x1x64xf32, #tpu.memory_space<vmem>>) offsets(%dma_start3A_11 : memref<96xi32, #tpu.memory_space<vmem>>) semaphore(%arg11 : memref<!tpu.dma_semaphore, #tpu.memory_space<semaphore_mem>>)
    %broadcast_in_dim3A = arith.constant 0.000000e+00 : f32
    %broadcast_in_dim3A_16 = vector.broadcast %broadcast_in_dim3A : f32 to vector<16xf32>
    %scan3A = arith.constant 0 : i32
    %scan3A_17 = arith.constant 0 : i32
    %scan3A_18 = arith.constant 128 : i32
    %scan3A_19 = arith.addi %scan3A_17, %scan3A_18 : i32
    %scan3A_20 = arith.constant 1 : i32
    scf.for %scan3A_24 = %scan3A_17 to %scan3A_19 step %scan3A_20  : i32 {
      %dma_wait3A = arith.constant 0 : i32
      %dma_wait3A_25 = tpu.memref_slice %arg6[%scan3A_24, %dma_wait3A] : memref<128x104xi32, #tpu.memory_space<vmem>> -> memref<1x104xi32, #tpu.memory_space<vmem>>
      %dma_wait3A_26 = tpu.memref_squeeze %dma_wait3A_25 : memref<1x104xi32, #tpu.memory_space<vmem>> -> memref<104xi32, #tpu.memory_space<vmem>>
      %dma_wait3A_27 = arith.constant 0 : i32
      %dma_wait3A_28 = arith.constant 0 : i32
      %dma_wait3A_29 = arith.constant 0 : i32
      %dma_wait3A_30 = tpu.memref_slice %arg4[%dma_wait3A_27, %dma_wait3A_28, %dma_wait3A_29] : memref<1000000x1x64xf32, #tpu.memory_space<hbm>> -> memref<1000000x1x64xf32, #tpu.memory_space<hbm>>
      tpu.wait_indirect_dma semaphore(%arg11 : memref<!tpu.dma_semaphore, #tpu.memory_space<semaphore_mem>>) src(%dma_wait3A_30 : memref<1000000x1x64xf32, #tpu.memory_space<hbm>>) dst(%arg8 : memref<104x1x64xf32, #tpu.memory_space<vmem>>)
      %dma_wait3A_31 = arith.constant 0 : i32
      %dma_wait3A_32 = tpu.memref_slice %arg7[%scan3A_24, %dma_wait3A_31] : memref<128x96xi32, #tpu.memory_space<vmem>> -> memref<1x96xi32, #tpu.memory_space<vmem>>
      %dma_wait3A_33 = tpu.memref_squeeze %dma_wait3A_32 : memref<1x96xi32, #tpu.memory_space<vmem>> -> memref<96xi32, #tpu.memory_space<vmem>>
      %dma_wait3A_34 = arith.constant 0 : i32
      %dma_wait3A_35 = arith.constant 0 : i32
      %dma_wait3A_36 = arith.constant 0 : i32
      %dma_wait3A_37 = tpu.memref_slice %arg4[%dma_wait3A_34, %dma_wait3A_35, %dma_wait3A_36] : memref<1000000x1x64xf32, #tpu.memory_space<hbm>> -> memref<1000000x1x64xf32, #tpu.memory_space<hbm>>
      tpu.wait_indirect_dma semaphore(%arg11 : memref<!tpu.dma_semaphore, #tpu.memory_space<semaphore_mem>>) src(%dma_wait3A_37 : memref<1000000x1x64xf32, #tpu.memory_space<hbm>>) dst(%arg9 : memref<96x1x64xf32, #tpu.memory_space<vmem>>)
      %scan3A_38 = arith.constant 0 : i32
      %scan3A_39 = arith.constant 104 : i32
      %scan3A_40 = arith.addi %scan3A_38, %scan3A_39 : i32
      %scan3A_41 = arith.constant 4 : i32
      %scan3A_42:4 = scf.for %scan3A_77 = %scan3A_38 to %scan3A_40 step %scan3A_41 iter_args(%scan3A_78 = %broadcast_in_dim3A_16, %scan3A_79 = %broadcast_in_dim3A_16, %scan3A_80 = %broadcast_in_dim3A_16, %scan3A_81 = %broadcast_in_dim3A_16) -> (vector<16xf32>, vector<16xf32>, vector<16xf32>, vector<16xf32>)  : i32 {
        %get3A = arith.constant 0 : i32
        %get3A_82 = arith.index_cast %scan3A_77 : i32 to index
        %get3A_83 = arith.index_cast %get3A : i32 to index
        %get3A_84 = arith.constant 0 : index
        %get3A_85 = tpu.vector_load %arg8[%get3A_82, %get3A_83, %get3A_84] {strides = array<i32>} : memref<104x1x64xf32, #tpu.memory_space<vmem>>, vector<1x1x16xf32>,
        %get3A_86 = vector.shape_cast %get3A_85 : vector<1x1x16xf32> to vector<16xf32>
        %add3A_87 = arith.addf %scan3A_78, %get3A_86 : vector<16xf32>
        %get3A_88 = arith.constant 0 : i32
        %get3A_89 = arith.index_cast %scan3A_77 : i32 to index
        %get3A_90 = arith.index_cast %get3A_88 : i32 to index
        %get3A_91 = arith.constant 16 : index
        %get3A_92 = tpu.vector_load %arg8[%get3A_89, %get3A_90, %get3A_91] {strides = array<i32>} : memref<104x1x64xf32, #tpu.memory_space<vmem>>, vector<1x1x16xf32>,
        %get3A_93 = vector.shape_cast %get3A_92 : vector<1x1x16xf32> to vector<16xf32>
        %add3A_94 = arith.addf %scan3A_79, %get3A_93 : vector<16xf32>
        %get3A_95 = arith.constant 0 : i32
        %get3A_96 = arith.index_cast %scan3A_77 : i32 to index
        %get3A_97 = arith.index_cast %get3A_95 : i32 to index
        %get3A_98 = arith.constant 32 : index
        %get3A_99 = tpu.vector_load %arg8[%get3A_96, %get3A_97, %get3A_98] {strides = array<i32>} : memref<104x1x64xf32, #tpu.memory_space<vmem>>, vector<1x1x16xf32>,
        %get3A_100 = vector.shape_cast %get3A_99 : vector<1x1x16xf32> to vector<16xf32>
        %add3A_101 = arith.addf %scan3A_80, %get3A_100 : vector<16xf32>
        %get3A_102 = arith.constant 0 : i32
        %get3A_103 = arith.index_cast %scan3A_77 : i32 to index
        %get3A_104 = arith.index_cast %get3A_102 : i32 to index
        %get3A_105 = arith.constant 48 : index
        %get3A_106 = tpu.vector_load %arg8[%get3A_103, %get3A_104, %get3A_105] {strides = array<i32>} : memref<104x1x64xf32, #tpu.memory_space<vmem>>, vector<1x1x16xf32>,
        %get3A_107 = vector.shape_cast %get3A_106 : vector<1x1x16xf32> to vector<16xf32>
        %add3A_108 = arith.addf %scan3A_81, %get3A_107 : vector<16xf32>
        %scan3A_109 = arith.constant 1 : i32
        %scan3A_110 = arith.addi %scan3A_77, %scan3A_109 : i32
        %get3A_111 = arith.constant 0 : i32
        %get3A_112 = arith.index_cast %scan3A_110 : i32 to index
        %get3A_113 = arith.index_cast %get3A_111 : i32 to index
        %get3A_114 = arith.constant 0 : index
        %get3A_115 = tpu.vector_load %arg8[%get3A_112, %get3A_113, %get3A_114] {strides = array<i32>} : memref<104x1x64xf32, #tpu.memory_space<vmem>>, vector<1x1x16xf32>,
        %get3A_116 = vector.shape_cast %get3A_115 : vector<1x1x16xf32> to vector<16xf32>
        %add3A_117 = arith.addf %add3A_87, %get3A_116 : vector<16xf32>
        %get3A_118 = arith.constant 0 : i32
        %get3A_119 = arith.index_cast %scan3A_110 : i32 to index
        %get3A_120 = arith.index_cast %get3A_118 : i32 to index
        %get3A_121 = arith.constant 16 : index
        %get3A_122 = tpu.vector_load %arg8[%get3A_119, %get3A_120, %get3A_121] {strides = array<i32>} : memref<104x1x64xf32, #tpu.memory_space<vmem>>, vector<1x1x16xf32>,
        %get3A_123 = vector.shape_cast %get3A_122 : vector<1x1x16xf32> to vector<16xf32>
        %add3A_124 = arith.addf %add3A_94, %get3A_123 : vector<16xf32>
        %get3A_125 = arith.constant 0 : i32
        %get3A_126 = arith.index_cast %scan3A_110 : i32 to index
        %get3A_127 = arith.index_cast %get3A_125 : i32 to index
        %get3A_128 = arith.constant 32 : index
        %get3A_129 = tpu.vector_load %arg8[%get3A_126, %get3A_127, %get3A_128] {strides = array<i32>} : memref<104x1x64xf32, #tpu.memory_space<vmem>>, vector<1x1x16xf32>,
        %get3A_130 = vector.shape_cast %get3A_129 : vector<1x1x16xf32> to vector<16xf32>
        %add3A_131 = arith.addf %add3A_101, %get3A_130 : vector<16xf32>
        %get3A_132 = arith.constant 0 : i32
        %get3A_133 = arith.index_cast %scan3A_110 : i32 to index
        %get3A_134 = arith.index_cast %get3A_132 : i32 to index
        %get3A_135 = arith.constant 48 : index
        %get3A_136 = tpu.vector_load %arg8[%get3A_133, %get3A_134, %get3A_135] {strides = array<i32>} : memref<104x1x64xf32, #tpu.memory_space<vmem>>, vector<1x1x16xf32>,
        %get3A_137 = vector.shape_cast %get3A_136 : vector<1x1x16xf32> to vector<16xf32>
        %add3A_138 = arith.addf %add3A_108, %get3A_137 : vector<16xf32>
        %scan3A_139 = arith.constant 2 : i32
        %scan3A_140 = arith.addi %scan3A_77, %scan3A_139 : i32
        %get3A_141 = arith.constant 0 : i32
        %get3A_142 = arith.index_cast %scan3A_140 : i32 to index
        %get3A_143 = arith.index_cast %get3A_141 : i32 to index
        %get3A_144 = arith.constant 0 : index
        %get3A_145 = tpu.vector_load %arg8[%get3A_142, %get3A_143, %get3A_144] {strides = array<i32>} : memref<104x1x64xf32, #tpu.memory_space<vmem>>, vector<1x1x16xf32>,
        %get3A_146 = vector.shape_cast %get3A_145 : vector<1x1x16xf32> to vector<16xf32>
        %add3A_147 = arith.addf %add3A_117, %get3A_146 : vector<16xf32>
        %get3A_148 = arith.constant 0 : i32
        %get3A_149 = arith.index_cast %scan3A_140 : i32 to index
        %get3A_150 = arith.index_cast %get3A_148 : i32 to index
        %get3A_151 = arith.constant 16 : index
        %get3A_152 = tpu.vector_load %arg8[%get3A_149, %get3A_150, %get3A_151] {strides = array<i32>} : memref<104x1x64xf32, #tpu.memory_space<vmem>>, vector<1x1x16xf32>,
        %get3A_153 = vector.shape_cast %get3A_152 : vector<1x1x16xf32> to vector<16xf32>
        %add3A_154 = arith.addf %add3A_124, %get3A_153 : vector<16xf32>
        %get3A_155 = arith.constant 0 : i32
        %get3A_156 = arith.index_cast %scan3A_140 : i32 to index
        %get3A_157 = arith.index_cast %get3A_155 : i32 to index
        %get3A_158 = arith.constant 32 : index
        %get3A_159 = tpu.vector_load %arg8[%get3A_156, %get3A_157, %get3A_158] {strides = array<i32>} : memref<104x1x64xf32, #tpu.memory_space<vmem>>, vector<1x1x16xf32>,
        %get3A_160 = vector.shape_cast %get3A_159 : vector<1x1x16xf32> to vector<16xf32>
        %add3A_161 = arith.addf %add3A_131, %get3A_160 : vector<16xf32>
        %get3A_162 = arith.constant 0 : i32
        %get3A_163 = arith.index_cast %scan3A_140 : i32 to index
        %get3A_164 = arith.index_cast %get3A_162 : i32 to index
        %get3A_165 = arith.constant 48 : index
        %get3A_166 = tpu.vector_load %arg8[%get3A_163, %get3A_164, %get3A_165] {strides = array<i32>} : memref<104x1x64xf32, #tpu.memory_space<vmem>>, vector<1x1x16xf32>,
        %get3A_167 = vector.shape_cast %get3A_166 : vector<1x1x16xf32> to vector<16xf32>
        %add3A_168 = arith.addf %add3A_138, %get3A_167 : vector<16xf32>
        %scan3A_169 = arith.constant 3 : i32
        %scan3A_170 = arith.addi %scan3A_77, %scan3A_169 : i32
        %get3A_171 = arith.constant 0 : i32
        %get3A_172 = arith.index_cast %scan3A_170 : i32 to index
        %get3A_173 = arith.index_cast %get3A_171 : i32 to index
        %get3A_174 = arith.constant 0 : index
        %get3A_175 = tpu.vector_load %arg8[%get3A_172, %get3A_173, %get3A_174] {strides = array<i32>} : memref<104x1x64xf32, #tpu.memory_space<vmem>>, vector<1x1x16xf32>,
        %get3A_176 = vector.shape_cast %get3A_175 : vector<1x1x16xf32> to vector<16xf32>
        %add3A_177 = arith.addf %add3A_147, %get3A_176 : vector<16xf32>
        %get3A_178 = arith.constant 0 : i32
        %get3A_179 = arith.index_cast %scan3A_170 : i32 to index
        %get3A_180 = arith.index_cast %get3A_178 : i32 to index
        %get3A_181 = arith.constant 16 : index
        %get3A_182 = tpu.vector_load %arg8[%get3A_179, %get3A_180, %get3A_181] {strides = array<i32>} : memref<104x1x64xf32, #tpu.memory_space<vmem>>, vector<1x1x16xf32>,
        %get3A_183 = vector.shape_cast %get3A_182 : vector<1x1x16xf32> to vector<16xf32>
        %add3A_184 = arith.addf %add3A_154, %get3A_183 : vector<16xf32>
        %get3A_185 = arith.constant 0 : i32
        %get3A_186 = arith.index_cast %scan3A_170 : i32 to index
        %get3A_187 = arith.index_cast %get3A_185 : i32 to index
        %get3A_188 = arith.constant 32 : index
        %get3A_189 = tpu.vector_load %arg8[%get3A_186, %get3A_187, %get3A_188] {strides = array<i32>} : memref<104x1x64xf32, #tpu.memory_space<vmem>>, vector<1x1x16xf32>,
        %get3A_190 = vector.shape_cast %get3A_189 : vector<1x1x16xf32> to vector<16xf32>
        %add3A_191 = arith.addf %add3A_161, %get3A_190 : vector<16xf32>
        %get3A_192 = arith.constant 0 : i32
        %get3A_193 = arith.index_cast %scan3A_170 : i32 to index
        %get3A_194 = arith.index_cast %get3A_192 : i32 to index
        %get3A_195 = arith.constant 48 : index
        %get3A_196 = tpu.vector_load %arg8[%get3A_193, %get3A_194, %get3A_195] {strides = array<i32>} : memref<104x1x64xf32, #tpu.memory_space<vmem>>, vector<1x1x16xf32>,
        %get3A_197 = vector.shape_cast %get3A_196 : vector<1x1x16xf32> to vector<16xf32>
        %add3A_198 = arith.addf %add3A_168, %get3A_197 : vector<16xf32>
        scf.yield %add3A_177, %add3A_184, %add3A_191, %add3A_198 : vector<16xf32>, vector<16xf32>, vector<16xf32>, vector<16xf32>
      }
      %scan3A_43 = arith.constant 104 : i32
      %scan3A_44 = arith.constant 0 : i32
      %scan3A_45 = arith.constant 96 : i32
      %scan3A_46 = arith.addi %scan3A_44, %scan3A_45 : i32
      %scan3A_47 = arith.constant 4 : i32
      %scan3A_48:4 = scf.for %scan3A_77 = %scan3A_44 to %scan3A_46 step %scan3A_47 iter_args(%scan3A_78 = %broadcast_in_dim3A_16, %scan3A_79 = %broadcast_in_dim3A_16, %scan3A_80 = %broadcast_in_dim3A_16, %scan3A_81 = %broadcast_in_dim3A_16) -> (vector<16xf32>, vector<16xf32>, vector<16xf32>, vector<16xf32>)  : i32 {
        %get3A = arith.constant 0 : i32
        %get3A_82 = arith.index_cast %scan3A_77 : i32 to index
        %get3A_83 = arith.index_cast %get3A : i32 to index
        %get3A_84 = arith.constant 0 : index
        %get3A_85 = tpu.vector_load %arg9[%get3A_82, %get3A_83, %get3A_84] {strides = array<i32>} : memref<96x1x64xf32, #tpu.memory_space<vmem>>, vector<1x1x16xf32>,
        %get3A_86 = vector.shape_cast %get3A_85 : vector<1x1x16xf32> to vector<16xf32>
        %add3A_87 = arith.addf %scan3A_78, %get3A_86 : vector<16xf32>
        %get3A_88 = arith.constant 0 : i32
        %get3A_89 = arith.index_cast %scan3A_77 : i32 to index
        %get3A_90 = arith.index_cast %get3A_88 : i32 to index
        %get3A_91 = arith.constant 16 : index
        %get3A_92 = tpu.vector_load %arg9[%get3A_89, %get3A_90, %get3A_91] {strides = array<i32>} : memref<96x1x64xf32, #tpu.memory_space<vmem>>, vector<1x1x16xf32>,
        %get3A_93 = vector.shape_cast %get3A_92 : vector<1x1x16xf32> to vector<16xf32>
        %add3A_94 = arith.addf %scan3A_79, %get3A_93 : vector<16xf32>
        %get3A_95 = arith.constant 0 : i32
        %get3A_96 = arith.index_cast %scan3A_77 : i32 to index
        %get3A_97 = arith.index_cast %get3A_95 : i32 to index
        %get3A_98 = arith.constant 32 : index
        %get3A_99 = tpu.vector_load %arg9[%get3A_96, %get3A_97, %get3A_98] {strides = array<i32>} : memref<96x1x64xf32, #tpu.memory_space<vmem>>, vector<1x1x16xf32>,
        %get3A_100 = vector.shape_cast %get3A_99 : vector<1x1x16xf32> to vector<16xf32>
        %add3A_101 = arith.addf %scan3A_80, %get3A_100 : vector<16xf32>
        %get3A_102 = arith.constant 0 : i32
        %get3A_103 = arith.index_cast %scan3A_77 : i32 to index
        %get3A_104 = arith.index_cast %get3A_102 : i32 to index
        %get3A_105 = arith.constant 48 : index
        %get3A_106 = tpu.vector_load %arg9[%get3A_103, %get3A_104, %get3A_105] {strides = array<i32>} : memref<96x1x64xf32, #tpu.memory_space<vmem>>, vector<1x1x16xf32>,
        %get3A_107 = vector.shape_cast %get3A_106 : vector<1x1x16xf32> to vector<16xf32>
        %add3A_108 = arith.addf %scan3A_81, %get3A_107 : vector<16xf32>
        %scan3A_109 = arith.constant 1 : i32
        %scan3A_110 = arith.addi %scan3A_77, %scan3A_109 : i32
        %get3A_111 = arith.constant 0 : i32
        %get3A_112 = arith.index_cast %scan3A_110 : i32 to index
        %get3A_113 = arith.index_cast %get3A_111 : i32 to index
        %get3A_114 = arith.constant 0 : index
        %get3A_115 = tpu.vector_load %arg9[%get3A_112, %get3A_113, %get3A_114] {strides = array<i32>} : memref<96x1x64xf32, #tpu.memory_space<vmem>>, vector<1x1x16xf32>,
        %get3A_116 = vector.shape_cast %get3A_115 : vector<1x1x16xf32> to vector<16xf32>
        %add3A_117 = arith.addf %add3A_87, %get3A_116 : vector<16xf32>
        %get3A_118 = arith.constant 0 : i32
        %get3A_119 = arith.index_cast %scan3A_110 : i32 to index
        %get3A_120 = arith.index_cast %get3A_118 : i32 to index
        %get3A_121 = arith.constant 16 : index
        %get3A_122 = tpu.vector_load %arg9[%get3A_119, %get3A_120, %get3A_121] {strides = array<i32>} : memref<96x1x64xf32, #tpu.memory_space<vmem>>, vector<1x1x16xf32>,
        %get3A_123 = vector.shape_cast %get3A_122 : vector<1x1x16xf32> to vector<16xf32>
        %add3A_124 = arith.addf %add3A_94, %get3A_123 : vector<16xf32>
        %get3A_125 = arith.constant 0 : i32
        %get3A_126 = arith.index_cast %scan3A_110 : i32 to index
        %get3A_127 = arith.index_cast %get3A_125 : i32 to index
        %get3A_128 = arith.constant 32 : index
        %get3A_129 = tpu.vector_load %arg9[%get3A_126, %get3A_127, %get3A_128] {strides = array<i32>} : memref<96x1x64xf32, #tpu.memory_space<vmem>>, vector<1x1x16xf32>,
        %get3A_130 = vector.shape_cast %get3A_129 : vector<1x1x16xf32> to vector<16xf32>
        %add3A_131 = arith.addf %add3A_101, %get3A_130 : vector<16xf32>
        %get3A_132 = arith.constant 0 : i32
        %get3A_133 = arith.index_cast %scan3A_110 : i32 to index
        %get3A_134 = arith.index_cast %get3A_132 : i32 to index
        %get3A_135 = arith.constant 48 : index
        %get3A_136 = tpu.vector_load %arg9[%get3A_133, %get3A_134, %get3A_135] {strides = array<i32>} : memref<96x1x64xf32, #tpu.memory_space<vmem>>, vector<1x1x16xf32>,
        %get3A_137 = vector.shape_cast %get3A_136 : vector<1x1x16xf32> to vector<16xf32>
        %add3A_138 = arith.addf %add3A_108, %get3A_137 : vector<16xf32>
        %scan3A_139 = arith.constant 2 : i32
        %scan3A_140 = arith.addi %scan3A_77, %scan3A_139 : i32
        %get3A_141 = arith.constant 0 : i32
        %get3A_142 = arith.index_cast %scan3A_140 : i32 to index
        %get3A_143 = arith.index_cast %get3A_141 : i32 to index
        %get3A_144 = arith.constant 0 : index
        %get3A_145 = tpu.vector_load %arg9[%get3A_142, %get3A_143, %get3A_144] {strides = array<i32>} : memref<96x1x64xf32, #tpu.memory_space<vmem>>, vector<1x1x16xf32>,
        %get3A_146 = vector.shape_cast %get3A_145 : vector<1x1x16xf32> to vector<16xf32>
        %add3A_147 = arith.addf %add3A_117, %get3A_146 : vector<16xf32>
        %get3A_148 = arith.constant 0 : i32
        %get3A_149 = arith.index_cast %scan3A_140 : i32 to index
        %get3A_150 = arith.index_cast %get3A_148 : i32 to index
        %get3A_151 = arith.constant 16 : index
        %get3A_152 = tpu.vector_load %arg9[%get3A_149, %get3A_150, %get3A_151] {strides = array<i32>} : memref<96x1x64xf32, #tpu.memory_space<vmem>>, vector<1x1x16xf32>,
        %get3A_153 = vector.shape_cast %get3A_152 : vector<1x1x16xf32> to vector<16xf32>
        %add3A_154 = arith.addf %add3A_124, %get3A_153 : vector<16xf32>
        %get3A_155 = arith.constant 0 : i32
        %get3A_156 = arith.index_cast %scan3A_140 : i32 to index
        %get3A_157 = arith.index_cast %get3A_155 : i32 to index
        %get3A_158 = arith.constant 32 : index
        %get3A_159 = tpu.vector_load %arg9[%get3A_156, %get3A_157, %get3A_158] {strides = array<i32>} : memref<96x1x64xf32, #tpu.memory_space<vmem>>, vector<1x1x16xf32>,
        %get3A_160 = vector.shape_cast %get3A_159 : vector<1x1x16xf32> to vector<16xf32>
        %add3A_161 = arith.addf %add3A_131, %get3A_160 : vector<16xf32>
        %get3A_162 = arith.constant 0 : i32
        %get3A_163 = arith.index_cast %scan3A_140 : i32 to index
        %get3A_164 = arith.index_cast %get3A_162 : i32 to index
        %get3A_165 = arith.constant 48 : index
        %get3A_166 = tpu.vector_load %arg9[%get3A_163, %get3A_164, %get3A_165] {strides = array<i32>} : memref<96x1x64xf32, #tpu.memory_space<vmem>>, vector<1x1x16xf32>,
        %get3A_167 = vector.shape_cast %get3A_166 : vector<1x1x16xf32> to vector<16xf32>
        %add3A_168 = arith.addf %add3A_138, %get3A_167 : vector<16xf32>
        %scan3A_169 = arith.constant 3 : i32
        %scan3A_170 = arith.addi %scan3A_77, %scan3A_169 : i32
        %get3A_171 = arith.constant 0 : i32
        %get3A_172 = arith.index_cast %scan3A_170 : i32 to index
        %get3A_173 = arith.index_cast %get3A_171 : i32 to index
        %get3A_174 = arith.constant 0 : index
        %get3A_175 = tpu.vector_load %arg9[%get3A_172, %get3A_173, %get3A_174] {strides = array<i32>} : memref<96x1x64xf32, #tpu.memory_space<vmem>>, vector<1x1x16xf32>,
        %get3A_176 = vector.shape_cast %get3A_175 : vector<1x1x16xf32> to vector<16xf32>
        %add3A_177 = arith.addf %add3A_147, %get3A_176 : vector<16xf32>
        %get3A_178 = arith.constant 0 : i32
        %get3A_179 = arith.index_cast %scan3A_170 : i32 to index
        %get3A_180 = arith.index_cast %get3A_178 : i32 to index
        %get3A_181 = arith.constant 16 : index
        %get3A_182 = tpu.vector_load %arg9[%get3A_179, %get3A_180, %get3A_181] {strides = array<i32>} : memref<96x1x64xf32, #tpu.memory_space<vmem>>, vector<1x1x16xf32>,
        %get3A_183 = vector.shape_cast %get3A_182 : vector<1x1x16xf32> to vector<16xf32>
        %add3A_184 = arith.addf %add3A_154, %get3A_183 : vector<16xf32>
        %get3A_185 = arith.constant 0 : i32
        %get3A_186 = arith.index_cast %scan3A_170 : i32 to index
        %get3A_187 = arith.index_cast %get3A_185 : i32 to index
        %get3A_188 = arith.constant 32 : index
        %get3A_189 = tpu.vector_load %arg9[%get3A_186, %get3A_187, %get3A_188] {strides = array<i32>} : memref<96x1x64xf32, #tpu.memory_space<vmem>>, vector<1x1x16xf32>,
        %get3A_190 = vector.shape_cast %get3A_189 : vector<1x1x16xf32> to vector<16xf32>
        %add3A_191 = arith.addf %add3A_161, %get3A_190 : vector<16xf32>
        %get3A_192 = arith.constant 0 : i32
        %get3A_193 = arith.index_cast %scan3A_170 : i32 to index
        %get3A_194 = arith.index_cast %get3A_192 : i32 to index
        %get3A_195 = arith.constant 48 : index
        %get3A_196 = tpu.vector_load %arg9[%get3A_193, %get3A_194, %get3A_195] {strides = array<i32>} : memref<96x1x64xf32, #tpu.memory_space<vmem>>, vector<1x1x16xf32>,
        %get3A_197 = vector.shape_cast %get3A_196 : vector<1x1x16xf32> to vector<16xf32>
        %add3A_198 = arith.addf %add3A_168, %get3A_197 : vector<16xf32>
        scf.yield %add3A_177, %add3A_184, %add3A_191, %add3A_198 : vector<16xf32>, vector<16xf32>, vector<16xf32>, vector<16xf32>
      }
      %scan3A_49 = arith.constant 96 : i32
      %add3A_50 = arith.addf %scan3A_42#0, %scan3A_48#0 : vector<16xf32>
      %swap3A = arith.index_cast %scan3A_24 : i32 to index
      %swap3A_51 = arith.constant 0 : index
      %swap3A_52 = tpu.vector_load %arg10[%swap3A, %swap3A_51] {strides = array<i32>} : memref<128x64xf32, #tpu.memory_space<vmem>>, vector<1x16xf32>,
      %swap3A_53 = vector.shape_cast %swap3A_52 : vector<1x16xf32> to vector<16xf32>
      %swap3A_54 = vector.shape_cast %add3A_50 : vector<16xf32> to vector<1x16xf32>
      tpu.vector_store %arg10[%swap3A, %swap3A_51], %swap3A_54 {strides = array<i32>} : memref<128x64xf32, #tpu.memory_space<vmem>>, vector<1x16xf32>,
      %add3A_55 = arith.addf %scan3A_42#1, %scan3A_48#1 : vector<16xf32>
      %swap3A_56 = arith.index_cast %scan3A_24 : i32 to index
      %swap3A_57 = arith.constant 16 : index
      %swap3A_58 = tpu.vector_load %arg10[%swap3A_56, %swap3A_57] {strides = array<i32>} : memref<128x64xf32, #tpu.memory_space<vmem>>, vector<1x16xf32>,
      %swap3A_59 = vector.shape_cast %swap3A_58 : vector<1x16xf32> to vector<16xf32>
      %swap3A_60 = vector.shape_cast %add3A_55 : vector<16xf32> to vector<1x16xf32>
      tpu.vector_store %arg10[%swap3A_56, %swap3A_57], %swap3A_60 {strides = array<i32>} : memref<128x64xf32, #tpu.memory_space<vmem>>, vector<1x16xf32>,
      %add3A_61 = arith.addf %scan3A_42#2, %scan3A_48#2 : vector<16xf32>
      %swap3A_62 = arith.index_cast %scan3A_24 : i32 to index
      %swap3A_63 = arith.constant 32 : index
      %swap3A_64 = tpu.vector_load %arg10[%swap3A_62, %swap3A_63] {strides = array<i32>} : memref<128x64xf32, #tpu.memory_space<vmem>>, vector<1x16xf32>,
      %swap3A_65 = vector.shape_cast %swap3A_64 : vector<1x16xf32> to vector<16xf32>
      %swap3A_66 = vector.shape_cast %add3A_61 : vector<16xf32> to vector<1x16xf32>
      tpu.vector_store %arg10[%swap3A_62, %swap3A_63], %swap3A_66 {strides = array<i32>} : memref<128x64xf32, #tpu.memory_space<vmem>>, vector<1x16xf32>,
      %add3A_67 = arith.addf %scan3A_42#3, %scan3A_48#3 : vector<16xf32>
      %swap3A_68 = arith.index_cast %scan3A_24 : i32 to index
      %swap3A_69 = arith.constant 48 : index
      %swap3A_70 = tpu.vector_load %arg10[%swap3A_68, %swap3A_69] {strides = array<i32>} : memref<128x64xf32, #tpu.memory_space<vmem>>, vector<1x16xf32>,
      %swap3A_71 = vector.shape_cast %swap3A_70 : vector<1x16xf32> to vector<16xf32>
      %swap3A_72 = vector.shape_cast %add3A_67 : vector<16xf32> to vector<1x16xf32>
      tpu.vector_store %arg10[%swap3A_68, %swap3A_69], %swap3A_72 {strides = array<i32>} : memref<128x64xf32, #tpu.memory_space<vmem>>, vector<1x16xf32>,
      %add3A_73 = arith.constant 1 : i32
      %add3A_74 = arith.addi %scan3A_24, %add3A_73 : i32
      %lt3A = arith.constant 128 : i32
      %lt3A_75 = arith.cmpi slt, %add3A_74, %lt3A : i32
      %convert_element_type3A = arith.extui %lt3A_75 : i1 to i32
      %cond3A = arith.constant 0 : i32
      %cond3A_76 = arith.cmpi ne, %convert_element_type3A, %cond3A : i32
      scf.if %cond3A_76 {
        %add3A_77 = arith.constant 1 : i32
        %add3A_78 = arith.addi %scan3A_24, %add3A_77 : i32
        %dma_start3A_79 = arith.constant 0 : i32
        %dma_start3A_80 = tpu.memref_slice %arg6[%add3A_78, %dma_start3A_79] : memref<128x104xi32, #tpu.memory_space<vmem>> -> memref<1x104xi32, #tpu.memory_space<vmem>>
        %dma_start3A_81 = tpu.memref_squeeze %dma_start3A_80 : memref<1x104xi32, #tpu.memory_space<vmem>> -> memref<104xi32, #tpu.memory_space<vmem>>
        %dma_start3A_82 = arith.constant 0 : i32
        %dma_start3A_83 = arith.constant 0 : i32
        %dma_start3A_84 = arith.constant 0 : i32
        %dma_start3A_85 = tpu.memref_slice %arg4[%dma_start3A_82, %dma_start3A_83, %dma_start3A_84] : memref<1000000x1x64xf32, #tpu.memory_space<hbm>> -> memref<1000000x1x64xf32, #tpu.memory_space<hbm>>
        tpu.enqueue_indirect_dma source(%dma_start3A_85 : memref<1000000x1x64xf32, #tpu.memory_space<hbm>>) target(%arg8 : memref<104x1x64xf32, #tpu.memory_space<vmem>>) offsets(%dma_start3A_81 : memref<104xi32, #tpu.memory_space<vmem>>) semaphore(%arg11 : memref<!tpu.dma_semaphore, #tpu.memory_space<semaphore_mem>>)
        %dma_start3A_86 = arith.constant 0 : i32
        %dma_start3A_87 = tpu.memref_slice %arg7[%add3A_78, %dma_start3A_86] : memref<128x96xi32, #tpu.memory_space<vmem>> -> memref<1x96xi32, #tpu.memory_space<vmem>>
        %dma_start3A_88 = tpu.memref_squeeze %dma_start3A_87 : memref<1x96xi32, #tpu.memory_space<vmem>> -> memref<96xi32, #tpu.memory_space<vmem>>
        %dma_start3A_89 = arith.constant 0 : i32
        %dma_start3A_90 = arith.constant 0 : i32
        %dma_start3A_91 = arith.constant 0 : i32
        %dma_start3A_92 = tpu.memref_slice %arg4[%dma_start3A_89, %dma_start3A_90, %dma_start3A_91] : memref<1000000x1x64xf32, #tpu.memory_space<hbm>> -> memref<1000000x1x64xf32, #tpu.memory_space<hbm>>
        tpu.enqueue_indirect_dma source(%dma_start3A_92 : memref<1000000x1x64xf32, #tpu.memory_space<hbm>>) target(%arg9 : memref<96x1x64xf32, #tpu.memory_space<vmem>>) offsets(%dma_start3A_88 : memref<96xi32, #tpu.memory_space<vmem>>) semaphore(%arg11 : memref<!tpu.dma_semaphore, #tpu.memory_space<semaphore_mem>>)
      } else {
      }
    }
    %scan3A_21 = arith.constant 128 : i32
    %mul3A_22 = arith.constant 128 : i32
    %mul3A_23 = arith.muli %add3A, %mul3A_22 : i32
    "tpu.region"() ({
      %run_scoped3A = tpu.sem_alloc : memref<!tpu.dma_semaphore, #tpu.memory_space<semaphore_mem>>
      %dma_start3A_24 = arith.constant 0 : i32
      %dma_start3A_25 = tpu.memref_slice %arg5[%mul3A_23, %dma_start3A_24] : memref<4096x64xf32, #tpu.memory_space<hbm>> -> memref<128x64xf32, #tpu.memory_space<hbm>>
      %dma_start3A_26 = arith.constant 0 : i32
      %dma_start3A_27 = tpu.memref_slice %arg5[%mul3A_23, %dma_start3A_26] : memref<4096x64xf32, #tpu.memory_space<hbm>> -> memref<128x64xf32, #tpu.memory_space<hbm>>
      tpu.enqueue_dma source(%arg10 : memref<128x64xf32, #tpu.memory_space<vmem>>) target(%dma_start3A_27 : memref<128x64xf32, #tpu.memory_space<hbm>>) target_semaphore(%run_scoped3A : memref<!tpu.dma_semaphore, #tpu.memory_space<semaphore_mem>>)
      %dma_wait3A = arith.constant 0 : i32
      %dma_wait3A_28 = tpu.memref_slice %arg5[%mul3A_23, %dma_wait3A] : memref<4096x64xf32, #tpu.memory_space<hbm>> -> memref<128x64xf32, #tpu.memory_space<hbm>>
      %dma_wait3A_29 = arith.constant 0 : i32
      %dma_wait3A_30 = tpu.memref_slice %arg5[%mul3A_23, %dma_wait3A_29] : memref<4096x64xf32, #tpu.memory_space<hbm>> -> memref<128x64xf32, #tpu.memory_space<hbm>>
      tpu.wait_dma2 semaphore(%run_scoped3A : memref<!tpu.dma_semaphore, #tpu.memory_space<semaphore_mem>>) src(%arg10 : memref<128x64xf32, #tpu.memory_space<vmem>>) dst(%dma_wait3A_30 : memref<128x64xf32, #tpu.memory_space<hbm>>)
      tpu.yield
    }) : () -> ()
    return
  }
}

module attributes {stable_mosaic.version = 14 : i64} {
  func.func @_mlp_body(%arg0: memref<4096x64xf32, #tpu.memory_space<vmem>>, %arg1: memref<64x256xf32, #tpu.memory_space<vmem>>, %arg2: memref<1x256xf32, #tpu.memory_space<vmem>>, %arg3: memref<256x1xf32, #tpu.memory_space<vmem>>, %arg4: memref<1x1xf32, #tpu.memory_space<vmem>>, %arg5: memref<4096x1xf32, #tpu.memory_space<vmem>>) attributes {dimension_semantics = [], scalar_prefetch = 0 : i64, scratch_operands = 0 : i64, tpu.core_type = #tpu.core_type<tc>} {
    %get3A = arith.constant 0 : index
    %get3A_0 = arith.constant 0 : index
    %get3A_1 = vector.load %arg0[%get3A, %get3A_0] : memref<4096x64xf32, #tpu.memory_space<vmem>>, vector<4096x64xf32>
    %mul3A = arith.constant 5.000000e-03 : f32
    %mul3A_2 = vector.broadcast %mul3A : f32 to vector<4096x64xf32>
    %mul3A_3 = arith.mulf %get3A_1, %mul3A_2 : vector<4096x64xf32>
    %get3A_4 = arith.constant 0 : index
    %get3A_5 = arith.constant 0 : index
    %get3A_6 = vector.load %arg1[%get3A_4, %get3A_5] : memref<64x256xf32, #tpu.memory_space<vmem>>, vector<64x256xf32>
    %dot_general3A = arith.constant dense<0.000000e+00> : vector<4096x256xf32>
    %dot_general3A_7 = tpu.matmul %mul3A_3, %get3A_6, %dot_general3A {dimension_numbers = #tpu.dot_dimension_numbers<[1], [0], [0], [1], [0, 0, 1, 1], [], []>, transpose_lhs_hint = false} : vector<4096x64xf32>, vector<64x256xf32>, vector<4096x256xf32> -> vector<4096x256xf32>
    %get3A_8 = arith.constant 0 : index
    %get3A_9 = arith.constant 0 : index
    %get3A_10 = vector.load %arg2[%get3A_8, %get3A_9] : memref<1x256xf32, #tpu.memory_space<vmem>>, vector<1x256xf32>
    %add3A = vector.broadcast %get3A_10 : vector<1x256xf32> to vector<4096x256xf32>
    %add3A_11 = arith.addf %dot_general3A_7, %add3A : vector<4096x256xf32>
    %max3A = arith.constant 0.000000e+00 : f32
    %max3A_12 = vector.broadcast %max3A : f32 to vector<4096x256xf32>
    %max3A_13 = arith.maximumf %add3A_11, %max3A_12 : vector<4096x256xf32>
    %get3A_14 = arith.constant 0 : index
    %get3A_15 = arith.constant 0 : index
    %get3A_16 = vector.load %arg3[%get3A_14, %get3A_15] : memref<256x1xf32, #tpu.memory_space<vmem>>, vector<256x1xf32>
    %dot_general3A_17 = arith.constant dense<0.000000e+00> : vector<4096x1xf32>
    %dot_general3A_18 = tpu.matmul %max3A_13, %get3A_16, %dot_general3A_17 {dimension_numbers = #tpu.dot_dimension_numbers<[1], [0], [0], [1], [0, 0, 1, 1], [], []>, transpose_lhs_hint = false} : vector<4096x256xf32>, vector<256x1xf32>, vector<4096x1xf32> -> vector<4096x1xf32>
    %get3A_19 = arith.constant 0 : index
    %get3A_20 = arith.constant 0 : index
    %get3A_21 = vector.load %arg4[%get3A_19, %get3A_20] : memref<1x1xf32, #tpu.memory_space<vmem>>, vector<1x1xf32>
    %add3A_22 = vector.broadcast %get3A_21 : vector<1x1xf32> to vector<4096x1xf32>
    %add3A_23 = arith.addf %dot_general3A_18, %add3A_22 : vector<4096x1xf32>
    %neg3A = arith.constant 0.000000e+00 : f32
    %neg3A_24 = vector.broadcast %neg3A : f32 to vector<4096x1xf32>
    %neg3A_25 = arith.subf %neg3A_24, %add3A_23 : vector<4096x1xf32>
    %exp3A = math.exp %neg3A_25 : vector<4096x1xf32>
    %add3A_26 = arith.constant 1.000000e+00 : f32
    %add3A_27 = vector.broadcast %add3A_26 : f32 to vector<4096x1xf32>
    %add3A_28 = arith.addf %add3A_27, %exp3A : vector<4096x1xf32>
    %div3A = arith.constant 1.000000e+00 : f32
    %div3A_29 = vector.broadcast %div3A : f32 to vector<4096x1xf32>
    %div3A_30 = arith.divf %div3A_29, %add3A_28 : vector<4096x1xf32>
    %swap3A = arith.constant 0 : index
    %swap3A_31 = arith.constant 0 : index
    %swap3A_32 = vector.load %arg5[%swap3A, %swap3A_31] : memref<4096x1xf32, #tpu.memory_space<vmem>>, vector<4096x1xf32>
    tpu.vector_store %arg5[%swap3A, %swap3A_31], %div3A_30 {strides = array<i32>} : memref<4096x1xf32, #tpu.memory_space<vmem>>, vector<4096x1xf32>,
    return
  }
}

</mosaic_0001>

<sc_bundles>
// kernel: kernel.4.cloned.1.call-start
scs
__scs_entry_jumppad:
0x0: {  	(pc) =	sbr.rel $0x88, $3  }
0x1: {  	(tag) =	ssettag $0x0;
	lr =	simm.s32 $0x1  }
0x2: {  	[smem:$0x3F9B] =	sst lr;
	_ =	strace $0xD0000000  }
0x3: {  	_ = 	snop  }
0x4: {  	_ = 	snop  }
0x5: {  	_ = 	snop  }
0x6: {  	_ = 	snop  }
0x7: {  	_ = 	snop  }
__scs_overlays_trampoline_lowered:
0x8: {  	[smem:$0x3FAA] =	sst s0  }
0x9: {  	[smem:$0x3FAB] =	sst s1  }
0xa: {  	[smem:$0x3FAC] =	sst s2  }
0xb: {  	[smem:$0x3FAD] =	sst s3  }
0xc: {  	[smem:$0x3FAE] =	sst s4  }
0xd: {  	[smem:$0x3FAF] =	sst s5  }
0xe: {  	[smem:$0x3FB0] =	sst s6  }
0xf: {  	[smem:$0x3FB1] =	sst s7  }
0x10: {  	[smem:$0x3FB2] =	sst s8  }
0x11: {  	[smem:$0x3FB3] =	sst s9;
	s0 =	simm.s32 @!p0 $0x0  }
0x12: {  	s1 =	sld [smem:$0x3F99];
	s0 =	simm.s32 @p0 $0x1  }
0x13: {  	[smem:$0x3FB4] =	sst s0;
	s0 =	simm.s32 @!p1 $0x0  }
0x14: {  	s2 =	sld [smem:$0x3F98];
	s0 =	simm.s32 @p1 $0x1  }
0x15: {  	[smem:$0x3FB5] =	sst s0;
	s0 =	simm.s32 @!p2 $0x0  }
0x16: {  	s3 =	sld [smem:$0x3FDB];
	s0 =	simm.s32 @p2 $0x1  }
0x17: {  	s4 =	simm.s32 $0x1BF5;
	[smem:$0x3FB7] =	sst s0  }
0x18: {  	s0 =	sld [smem:$0x3F9A];
	_ =	swait.ge [sflag:s4], $0x0  }
0x19: {  	s7 =	sld [smem:$0x3F9B]  }
0x1a: {  	s8 =	sadd.s32 $0xFFFFE003, lr  }
0x1b: {  	s9 =	sadd.s32 $0xFFFFFEF7, lr;
	s5 =	simm.s32 $0xFFFFFFFF;
	p2 =	slt.u32 s8, $0xFFFFF086  }
0x1c: {  	p1 =	slt.u32 s9, $0xF7A;
	s5 =	simm.s32 @!p2 $0x0  }
0x1d: {  	s5 =	simm.s32 @p1 $0x1;
	p0 =	seq.s32 s7, s2  }
0x1e: {  	s7 =	smul.u32 @!p0 $0xF7A, s2;
	p2 =	seq.s32 @!p0 s5, $0x0  }
0x1f: {  	s9 =	smul.u32 $0xF7A, s1;
	s8 =	simm.s32 @!p0 $0x1BF5;
	p2 =	por !p2, p0  }
0x20: {  	[sflag:s8] =	ssyncset.s32 @!p0 $0xFFFFF086;
	s6 =	sadd.s32 @!p0 s3, s7;
	s7 =	simm.s32 @!p0 $0x108  }
0x21: {  	s3 =	sadd.s32 s3, s9;
	s6 =	sadd.s32 @!p0 $0x88, s6;
	s7 =	simm.s32 @p2 $0x1082  }
0x22: {  	[simem:s7], [sflag:s8] =	dma.local @!p0 [hbm:s6], $0xF7A  }
0x23: {  	s9 =	sor.u32 $0xD0000000, s2;
	s6 =	simm.s32 $0x108;
	_ =	swait.ge @!p0 [sflag:s8], $0x0  }
0x24: {  	s3 =	sadd.s32 $0x88, s3;
	s6 =	simm.s32 @!p1 $0x1082;
	[sflag:s4] =	ssyncset.s32 $0xFFFFF086  }
0x25: {  	[simem:s6], [sflag:s4] =	dma.local [hbm:s3], $0xF7A  }
0x26: {  	[smem:$0x3F9B] =	sst s1;
	(tag) =	ssettag s2;
	_ =	strace s9  }
0x27: {  	s1 =	sld [smem:$0x3FAB]  }
0x28: {  	s2 =	sld [smem:$0x3FAC]  }
0x29: {  	s4 =	sld [smem:$0x3FAE]  }
0x2a: {  	p0 =	seq.s32 s5, $0x0;
	s5 =	sld [smem:$0x3FAF]  }
0x2b: {  	s6 =	sld [smem:$0x3FB0]  }
0x2c: {  	s7 =	sld [smem:$0x3FB1]  }
0x2d: {  	s3 =	simm.s32 $0x108;
	s8 =	sld [smem:$0x3FB2]  }
0x2e: {  	s3 =	simm.s32 @!p0 $0x1082;
	s9 =	sld [smem:$0x3FB3]  }
0x2f: {  	lr =	sadd.s32 s0, s3;
	s0 =	sld [smem:$0x3FAA]  }
0x30: {  	s3 =	sld [smem:$0x3FAD]  }
0x31: {  	[smem:$0x3FB6] =	sst s10  }
0x32: {  	s10 =	sld [smem:$0x3FB4];
	_ =	sdelay $0x3  }
0x33: {  	p0 =	seq.s32 s10, $0x1;
	s10 =	sld [smem:$0x3FB6];
	_ =	sdelay $0x3  }
0x34: {  	[smem:$0x3FB6] =	sst s10  }
0x35: {  	s10 =	sld [smem:$0x3FB5];
	_ =	sdelay $0x3  }
0x36: {  	p1 =	seq.s32 s10, $0x1;
	s10 =	sld [smem:$0x3FB6];
	_ =	sdelay $0x3  }
0x37: {  	[smem:$0x3FB6] =	sst s10  }
0x38: {  	s10 =	sld [smem:$0x3FB7]  }
0x39: {  	_ = 	snop;
	(pc) =	sbr.ind lr, $3  }
0x3a: {  	_ = 	snop  }
0x3b: {  	_ = 	snop  }
0x3c: {  	p2 =	seq.s32 s10, $0x1;
	s10 =	sld [smem:$0x3FB6]  }
0x3d: {  	_ =	shalt  }
0x3e: {  	_ =	shalt  }
0x3f: {  	_ =	shalt  }
0x40: {  	_ =	shalt  }
0x41: {  	_ =	shalt  }
0x42: {  	_ =	shalt  }
0x43: {  	_ =	shalt  }
0x44: {  	_ =	shalt  }
0x45: {  	_ =	shalt  }
0x46: {  	_ =	shalt  }
0x47: {  	_ =	shalt  }
0x48: {  	_ =	shalt  }
0x49: {  	_ =	shalt  }
0x4a: {  	_ =	shalt  }
0x4b: {  	_ =	shalt  }
0x4c: {  	_ =	shalt  }
0x4d: {  	_ =	shalt  }
0x4e: {  	_ =	shalt  }
0x4f: {  	_ =	shalt  }
0x50: {  	_ =	shalt  }
0x51: {  	_ =	shalt  }
0x52: {  	_ =	shalt  }
0x53: {  	_ =	shalt  }
0x54: {  	_ =	shalt  }
0x55: {  	_ =	shalt  }
0x56: {  	_ =	shalt  }
0x57: {  	_ =	shalt  }
0x58: {  	_ =	shalt  }
0x59: {  	_ =	shalt  }
0x5a: {  	_ =	shalt  }
0x5b: {  	_ =	shalt  }
0x5c: {  	_ =	shalt  }
0x5d: {  	_ =	shalt  }
0x5e: {  	_ =	shalt  }
0x5f: {  	_ =	shalt  }
0x60: {  	_ =	shalt  }
0x61: {  	_ =	shalt  }
0x62: {  	_ =	shalt  }
0x63: {  	_ =	shalt  }
0x64: {  	_ =	shalt  }
0x65: {  	_ =	shalt  }
0x66: {  	_ =	shalt  }
0x67: {  	_ =	shalt  }
0x68: {  	_ =	shalt  }
0x69: {  	_ =	shalt  }
0x6a: {  	_ =	shalt  }
0x6b: {  	_ =	shalt  }
0x6c: {  	_ =	shalt  }
0x6d: {  	_ =	shalt  }
0x6e: {  	_ =	shalt  }
0x6f: {  	_ =	shalt  }
0x70: {  	_ =	shalt  }
0x71: {  	_ =	shalt  }
0x72: {  	_ =	shalt  }
0x73: {  	_ =	shalt  }
0x74: {  	_ =	shalt  }
0x75: {  	_ =	shalt  }
0x76: {  	_ =	shalt  }
0x77: {  	_ =	shalt  }
0x78: {  	_ =	shalt  }
0x79: {  	_ =	shalt  }
0x7a: {  	_ =	shalt  }
0x7b: {  	_ =	shalt  }
0x7c: {  	_ =	shalt  }
0x7d: {  	_ =	shalt  }
0x7e: {  	_ =	shalt  }
0x7f: {  	_ =	shalt  }
0x80: {  	_ =	shalt  }
0x81: {  	_ =	shalt  }
0x82: {  	_ =	shalt  }
0x83: {  	_ =	shalt  }
0x84: {  	_ =	shalt  }
0x85: {  	_ =	shalt  }
0x86: {  	_ =	shalt  }
0x87: {  	_ =	shalt  }
.Lfunc_end0:
.L_simem_size_0:
called_computation_lowered:
.L_overlay_start_0:
0x88: {  	s2 =	sld [smem:$0x3FD9]  }
0x89: {  	s3 =	sld [smem:$0x3FFE];
	_ =	sdelay $0x1  }
0x8a: {  	s1 =	srdreg.scid  }
0x8b: {  	s0 =	sand.u32 $0x1, s1  }
0x8c: {  	s16 =	sshll.u32 s0, $0xA;
	s2 =	sadd.s32 s3, s2  }
0x8d: {  	s2 =	sadd.s32 s2, s16  }
0x8e: {  	[smem:$0x3FC2] =	sst s2  }
0x8f: {  	_ = 	snop  }
0x90: {  	(tm) =	ssettm $0x1  }
0x91: {  	s17 =	sld [smem:$0x3FFB];
	_ =	sdelay $0x3  }
0x92: {  	_ =	strace s17  }
0x93: {  	s2 =	sld [smem:$0x3FFC];
	_ =	sdelay $0x3  }
0x94: {  	_ =	strace s2  }
0x95: {  	s2 =	sld [smem:$0x3FFD];
	_ =	sdelay $0x3  }
0x96: {  	_ =	strace s2  }
0x97: {  	_ =	strace $0x8FFFFFFF  }
0x98: {  	s18 =	sld [smem:$0x3FDB];
	_ =	sdelay $0x1  }
0x99: {  	s19 =	simm.s32 $_scs_section_size  }
0x9a: {  	s4 =	simm.s32 $_size__tile_overlayer_lowered;
	s5 =	simm.s32 $_tile_overlayer_lowered  }
0x9b: {  	s22 =	simm.s32 $0x1BFF;
	s21 =	sshll.u32 s5, $0x1;
	s2 =	sadd.s32 s19, s18  }
0x9c: {  	s6 =	simm.s32 $0x0;
	s20 =	sshll.u32 s4, $0x1;
	s4 =	sadd.s32 s21, s2  }
0x9d: {  	[timem:s6], [sflag:s22] =	dma.local [hbm:s4], s20  }
0x9e: {  	_ =	swait.ge [sflag:s22], s20  }
0x9f: {  	s3 =	ssub.s32 $0x0, s20;
	[sflag:s22] =	ssyncset.done $0x0  }
0xa0: {  	[sflag:s22] =	ssyncadd.s32 s3;
	_ =	sdelay $0x1  }
0xa1: {  	s23 =	simm.s32 $0x1B8B  }
0xa2: {  	_ =	swait.ge [sflag:s23], $0x1  }
0xa3: {  	[sflag:s23] =	ssyncset.done $0x0  }
0xa4: {  	s25 =	simm.s32 $0x1B8E;
	s24 =	sld [smem:$0x3FFE];
	[sflag:s23] =	ssyncadd.s32 $0xFFFFFFFF  }
0xa5: {  	s26 =	simm.s32 $execute0_lowered;
	[smem:$0x3FD2] =	sst s25  }
0xa6: {  	s4 =	sshll.u32 s26, $0x1;
	_ =	strace $0x80000046;
	[dreg:$0x1] =	wrdreg $0xFFFFFFFF  }
0xa7: {  	s28 =	simm.s32 $_size_execute0_lowered;
	s2 =	sadd.s32 s2, s4;
	[dreg:$0x0] =	wrdreg $0x0  }
0xa8: {  	s4 =	sshll.u32 s28, $0x1;
	[dreg:$0x2] =	wrdreg s2  }
0xa9: {  	[dreg:$0x3] =	wrdreg s4  }
0xaa: {  	[dreg:$0x4] =	wrdreg $0xC0  }
0xab: {  	_ =	task [dreg:s6], $0x5FFFF  }
0xac: {  	[dreg:$0x1] =	wrdreg $0xFFFFFFFF  }
0xad: {  	[dreg:$0x0] =	wrdreg $0x60  }
0xae: {  	[dreg:$0x2] =	wrdreg s24  }
0xaf: {  	[dreg:$0x3] =	wrdreg $0x9  }
0xb0: {  	_ =	task.clear_ibuf [dreg:s6], $0x4FFFF;
	_ =	strace $0x90000046  }
0xb1: {  	s29 =	simm.s32 $0x9;
	_ =	strace $0x80000048  }
0xb2: {  	_ =	swait.ge [sflag:s29], $0x1  }
0xb3: {  	[sflag:s29] =	ssyncadd.s32 $0xFFFFFFFF  }
0xb4: {  	_ =	strace $0x90000048  }
0xb5: {  	_ =	sfence  }
0xb6: {  	s30 =	sld [smem:$0x0];
	_ =	sdelay $0x2  }
0xb7: {  	s31 =	sshll.u32 s1, $0xD;
	s1 =	sshrl.u32 s1, $0x2  }
0xb8: {  	s3 =	sand.u32 $0x4000, s31;
	s1 =	sadd.s32 s1, s30  }
0xb9: {  	s0 =	sor.u32 s3, s0;
	s1 =	sshll.u32 s1, $0x11  }
0xba: {  	s0 =	sor.u32 s1, s0  }
0xbb: {  	s0 =	sadd.s32 $0x8F2B, s0  }
0xbc: {  	[sflag:s0] =	ssyncadd.remote.s32 $0x1  }
0xbd: {  	_ =	sfence.sel $0xFFFF  }
0xbe: {  	[dreg:$0x0] =	wrdreg $0xFFFFFFFF;
	(pc) =	sbr.abs _section_cstart, $3  }
0xbf: {  	[dreg:$0x1] =	wrdreg $0xFFFFFFFF  }
0xc0: {  	_ =	task.clear_ibuf [dreg:s6], $0x2FFFF;
	_ =	strace $0x9FFFFFFF  }
0xc1: {  	(tm) =	ssettm $0x7FFFFFFF  }
tec
execute0_lowered:
.L_overlay_start_1:
0x0: {  	(tag) =	ssettag $0x1  }
0x1: {  	s3 =	rddreg [dreg:$0x0];
	s2 =	srdreg.scid  }
0x2: {  	s0 =	rddreg [dreg:$0x1];
	s1 =	stileid.u32;
	s8 =	simm.s32 $0x2  }
0x3: {  	s9 =	simm.s32 $0x4000;
	s10 =	simm.s32 $0x68;
	s11 =	simm.s32 $0x8000  }
0x4: {  	s12 =	simm.s32 $0x60;
	s13 =	simm.s32 $0xB400;
	s14 =	simm.s32 $0x1  }
0x5: {  	s15 =	simm.s32 $0xE400;
	s16 =	simm.s32 $0x0;
	s4 =	sand.u32 $0x1, s2  }
0x6: {  	s2 =	simm.s32 $0x0;
	s5 =	sshll.u32 s1, $0xC;
	s6 =	sshll.u32 s4, $0xB  }
0x7: {  	[smem:$0x7FF] =	sst s2;
	s4 =	ssub.s32 $0x2, s4;
	s5 =	sor.u32 s6, s5  }
0x8: {  	_ =	strace $0x80000047;
	s31 =	sshrl.u32 s4, $0x1;
	s6 =	sadd.s32 s5, s3  }
0x9: {  	s3 =	sadd.s32 $0x20C00, s3;
	s7 =	ssub.s32 s4, s31;
	s4 =	sadd.s32 $0xC00, s6  }
0xa: {  	s5 =	sadd.s32 $0x10C00, s6;
	s6 =	sadd.s32 $0xF63000, s6;
	s7 =	smax.u32 s7, $0x1  }
.LBB2_1:
0xb: {  	[tilespmem:s2], [sflag:$0x2] =	stream.linear.gather [hbm4b:s4+s2], $0x4000, $0x38;
	[tilespmem:$0x12400] =	vst v63  }
0xc: {  	_ =	swait.ge [sflag:s8], $0x4000  }
0xd: {  	[sflag:s8] =	ssyncset.done $0x0  }
0xe: {  	[sflag:s8] =	ssyncadd.s32 $0xFFFFC000  }
0xf: {  	[tilespmem:s9], [sflag:$0x2] =	stream.linear.gather [hbm4b:s5+s2], $0x4000, $0x38;
	[tilespmem:$0x12400] =	vst v63  }
0x10: {  	_ =	swait.ge [sflag:s8], $0x4000  }
0x11: {  	[sflag:s8] =	ssyncset.done $0x0  }
0x12: {  	[sflag:s8] =	ssyncadd.s32 $0xFFFFC000  }
0x13: {  	[tilespmem:s11], [sflag:$0x1] =	stream.indirect.gather [hbm4b:s3+s10], $0x40, s2, s10, $0xb8;
	[tilespmem:$0x12400] =	vst v63  }
0x14: {  	s17 =	simm.s32 $0x0  }
0x15: {  	[tilespmem:s13], [sflag:$0x1] =	stream.indirect.gather [hbm4b:s3+s12], $0x40, s9, s12, $0xb8;
	[tilespmem:$0x12400] =	vst v63  }
.LBB2_2:
0x16: {  	_ =	swait.ge [sflag:s14], $0x1A00  }
0x17: {  	[sflag:s14] =	ssyncset.done $0x0  }
0x18: {  	[sflag:s14] =	ssyncadd.s32 $0xFFFFE600  }
0x19: {  	_ =	swait.ge [sflag:s14], $0x1800  }
0x1a: {  	[sflag:s14] =	ssyncset.done $0x0  }
0x1b: {  	s18 =	simm.s32 $0x8100;
	[sflag:s14] =	ssyncadd.s32 $0xFFFFE800  }
0x1c: {  	v1 =	vld [tilespmem:s18+$0x80]  }
0x1d: {  	v2 =	vld [tilespmem:s18+$0x90]  }
0x1e: {  	v3 =	vld [tilespmem:s18+$0x0]  }
0x1f: {  	v7 =	vld [tilespmem:s18+$0x10]  }
0x20: {  	v4 =	vld [tilespmem:s18+$0xFFFFFF80]  }
0x21: {  	v5 =	vld [tilespmem:s18+$0xFFFFFF90]  }
0x22: {  	v6 =	vld [tilespmem:s18+$0xFFFFFF00]  }
0x23: {  	v8 =	vld [tilespmem:s18+$0xFFFFFF10]  }
0x24: {  	v10 =	vld [tilespmem:s18+$0xFFFFFF20]  }
0x25: {  	v13 =	vld [tilespmem:s18+$0xFFFFFF30]  }
0x26: {  	v12 =	vld [tilespmem:s18+$0xFFFFFFA0]  }
0x27: {  	v14 =	vld [tilespmem:s18+$0xFFFFFFB0]  }
0x28: {  	v0 =	vimm.f32 $0.0e+00;
	v9 =	vld [tilespmem:s18+$0x20]  }
0x29: {  	v11 =	vld [tilespmem:s18+$0x30];
	v6 =	vadd.f32 v6, v0;
	v8 =	vadd.f32 v8, v0  }
0x2a: {  	v15 =	vadd.f32 v10, v0;
	v16 =	vadd.f32 v13, v0;
	v10 =	vld [tilespmem:s18+$0xA0]  }
0x2b: {  	s19 =	simm.s32 $0x0;
	s20 =	simm.s32 $0x8300;
	v13 =	vld [tilespmem:s18+$0xB0];
	v17 =	vadd.f32 v4, v6;
	v18 =	vadd.f32 v5, v8  }
.LBB2_3:
0x2c: {  	v4 =	vld [tilespmem:s20+$0x80];
	v5 =	vadd.f32 v12, v15;
	v6 =	vadd.f32 v14, v16  }
0x2d: {  	v8 =	vld [tilespmem:s20+$0x90];
	v12 =	vadd.f32 v3, v17;
	v14 =	vadd.f32 v7, v18  }
0x2e: {  	v3 =	vld [tilespmem:s20+$0x0];
	v5 =	vadd.f32 v9, v5;
	v6 =	vadd.f32 v11, v6  }
0x2f: {  	v7 =	vld [tilespmem:s20+$0x10];
	v11 =	vadd.f32 v1, v12;
	v15 =	vadd.f32 v2, v14  }
0x30: {  	s18 =	simm.s32 $0xB500;
	v17 =	vld [tilespmem:s20+$0xFFFFFF80];
	v5 =	vadd.f32 v10, v5;
	v6 =	vadd.f32 v13, v6  }
0x31: {  	v13 =	vld [tilespmem:s20+$0xFFFFFF90];
	v1 =	vmov v4  }
0x32: {  	v4 =	vld [tilespmem:s20+$0xFFFFFF00];
	v2 =	vmov v8  }
0x33: {  	v8 =	vld [tilespmem:s20+$0xFFFFFF10]  }
0x34: {  	v10 =	vld [tilespmem:s20+$0xFFFFFF20]  }
0x35: {  	s19 =	sadd.s32 $0x4, s19;
	v16 =	vld [tilespmem:s20+$0xFFFFFF30]  }
0x36: {  	p0 =	slt.u32 s19, $0x64;
	v12 =	vld [tilespmem:s20+$0xFFFFFFA0]  }
.Ltmp0:
0x37: {  	v14 =	vld [tilespmem:s20+$0xFFFFFFB0];
	(pc) =	sbr.rel @p0 .LBB2_3-.Ltmp0, $4  }
0x38: {  	v9 =	vld [tilespmem:s20+$0x20]  }
0x39: {  	v4 =	vadd.f32 v4, v11;
	v8 =	vadd.f32 v8, v15;
	v11 =	vld [tilespmem:s20+$0x30]  }
0x3a: {  	v15 =	vadd.f32 v10, v5;
	v16 =	vadd.f32 v16, v6;
	v10 =	vld [tilespmem:s20+$0xA0]  }
0x3b: {  	v17 =	vadd.f32 v17, v4;
	v18 =	vadd.f32 v13, v8;
	v13 =	vld [tilespmem:s20+$0xB0];
	s20 =	sadd.s32 $0x200, s20  }
0x3c: {  	v4 =	vld [tilespmem:s18+$0x80]  }
0x3d: {  	v5 =	vld [tilespmem:s18+$0x90]  }
0x3e: {  	v6 =	vld [tilespmem:s18+$0x0]  }
0x3f: {  	v8 =	vld [tilespmem:s18+$0x10]  }
0x40: {  	v19 =	vld [tilespmem:s18+$0xFFFFFF80]  }
0x41: {  	v20 =	vld [tilespmem:s18+$0xFFFFFF90]  }
0x42: {  	v21 =	vld [tilespmem:s18+$0xFFFFFF00]  }
0x43: {  	v22 =	vld [tilespmem:s18+$0xFFFFFF10]  }
0x44: {  	v12 =	vadd.f32 v12, v15;
	v14 =	vadd.f32 v14, v16;
	v15 =	vld [tilespmem:s18+$0xFFFFFF20]  }
0x45: {  	v3 =	vadd.f32 v3, v17;
	v16 =	vadd.f32 v7, v18;
	v17 =	vld [tilespmem:s18+$0xFFFFFF30]  }
0x46: {  	v9 =	vadd.f32 v9, v12;
	v14 =	vadd.f32 v11, v14;
	v11 =	vld [tilespmem:s18+$0xFFFFFFA0]  }
0x47: {  	v12 =	vld [tilespmem:s18+$0xFFFFFFB0];
	v7 =	vadd.f32 v1, v3;
	v2 =	vadd.f32 v2, v16  }
0x48: {  	v3 =	vadd.f32 v10, v9;
	v1 =	vadd.f32 v13, v14;
	v9 =	vld [tilespmem:s18+$0x20]  }
0x49: {  	v10 =	vld [tilespmem:s18+$0x30];
	v13 =	vadd.f32 v21, v0;
	v16 =	vadd.f32 v22, v0  }
0x4a: {  	v15 =	vadd.f32 v15, v0;
	v14 =	vadd.f32 v17, v0;
	v0 =	vld [tilespmem:s18+$0xA0]  }
0x4b: {  	s19 =	simm.s32 $0x0;
	v17 =	vadd.f32 v19, v13;
	v16 =	vadd.f32 v20, v16;
	v13 =	vld [tilespmem:s18+$0xB0];
	s18 =	simm.s32 $0xB700  }
.LBB2_5:
0x4c: {  	v18 =	vld [tilespmem:s18+$0x80];
	v11 =	vadd.f32 v11, v15;
	v12 =	vadd.f32 v12, v14  }
0x4d: {  	v14 =	vld [tilespmem:s18+$0x90];
	v15 =	vadd.f32 v6, v17;
	v16 =	vadd.f32 v8, v16  }
0x4e: {  	v6 =	vld [tilespmem:s18+$0x0];
	v9 =	vadd.f32 v9, v11;
	v10 =	vadd.f32 v10, v12  }
0x4f: {  	v8 =	vld [tilespmem:s18+$0x10];
	v15 =	vadd.f32 v4, v15;
	v16 =	vadd.f32 v5, v16  }
0x50: {  	v17 =	vld [tilespmem:s18+$0xFFFFFF80];
	v0 =	vadd.f32 v0, v9;
	v13 =	vadd.f32 v13, v10  }
0x51: {  	v19 =	vld [tilespmem:s18+$0xFFFFFF90];
	v4 =	vmov v18  }
0x52: {  	v10 =	vld [tilespmem:s18+$0xFFFFFF00];
	v5 =	vmov v14  }
0x53: {  	v14 =	vld [tilespmem:s18+$0xFFFFFF10]  }
0x54: {  	v18 =	vld [tilespmem:s18+$0xFFFFFF20]  }
0x55: {  	s19 =	sadd.s32 $0x4, s19;
	v20 =	vld [tilespmem:s18+$0xFFFFFF30]  }
0x56: {  	p0 =	slt.u32 s19, $0x5C;
	v11 =	vld [tilespmem:s18+$0xFFFFFFA0]  }
.Ltmp1:
0x57: {  	v12 =	vld [tilespmem:s18+$0xFFFFFFB0];
	(pc) =	sbr.rel @p0 .LBB2_5-.Ltmp1, $4  }
0x58: {  	v9 =	vld [tilespmem:s18+$0x20]  }
0x59: {  	v21 =	vadd.f32 v10, v15;
	v16 =	vadd.f32 v14, v16;
	v10 =	vld [tilespmem:s18+$0x30]  }
0x5a: {  	v15 =	vadd.f32 v18, v0;
	v14 =	vadd.f32 v20, v13;
	v0 =	vld [tilespmem:s18+$0xA0]  }
0x5b: {  	v17 =	vadd.f32 v17, v21;
	v16 =	vadd.f32 v19, v16;
	v13 =	vld [tilespmem:s18+$0xB0];
	s18 =	sadd.s32 $0x200, s18  }
0x5c: {  	_ = 	snop  }
0x5d: {  	v11 =	vadd.f32 v11, v15;
	v6 =	vadd.f32 v6, v17  }
0x5e: {  	v12 =	vadd.f32 v12, v14;
	v8 =	vadd.f32 v8, v16  }
0x5f: {  	v9 =	vadd.f32 v9, v11;
	v4 =	vadd.f32 v4, v6  }
0x60: {  	v63 =	vadd.f32 v10, v12;
	v5 =	vadd.f32 v5, v8  }
0x61: {  	s18 =	sshll.u32 s17, $0x7;
	v0 =	vadd.f32 v0, v9;
	v4 =	vadd.f32 v4, v7  }
0x62: {  	s18 =	sand.u32 $0x3FFFFF80, s18;
	v6 =	vadd.f32 v13, v63;
	v2 =	vadd.f32 v5, v2  }
0x63: {  	v0 =	vadd.f32 v0, v3;
	[tilespmem:s18+$0xE400] =	vst v4  }
0x64: {  	p0 =	seq.s32 s17, $0x7F;
	v1 =	vadd.f32 v6, v1;
	[tilespmem:s18+$0xE410] =	vst v2  }
0x65: {  	s17 =	sadd.s32 @!p0 $0x1, s17;
	s19 =	simm.s32 @!p0 $0x68;
	[tilespmem:s18+$0xE420] =	vst v0  }
0x66: {  	s20 =	simm.s32 @!p0 $0x8000;
	p1 =	sne.s32 @!p0 s17, $0x80;
	[tilespmem:s18+$0xE430] =	vst v1;
	s18 =	sshll.u32 @!p0 s17, $0x7  }
0x67: {  	[tilespmem:s20], [sflag:$0x1] =	stream.indirect.gather @!p0 [hbm4b:s3+s19], $0x40, s18, s19, $0xb8;
	[tilespmem:$0x12400] =	vst v63  }
0x68: {  	s18 =	sadd.s32 @!p0 $0x4000, s18;
	s19 =	simm.s32 @!p0 $0x60;
	s20 =	simm.s32 @!p0 $0xB400  }
0x69: {  	[tilespmem:s20], [sflag:$0x1] =	stream.indirect.gather @!p0 [hbm4b:s3+s19], $0x40, s18, s19, $0xb8;
	[tilespmem:$0x12400] =	vst v63  }
0x6a: {  	p0 =	por p0, !p1  }
.Ltmp2:
0x6b: {  	_ = 	snop;
	(pc) =	sbr.rel @!p0 .LBB2_2-.Ltmp2, $1  }
0x6c: {  	_ =	sdelay $0x3  }
0x6d: {  	s16 =	sadd.s32 $0x1, s16  }
0x6e: {  	p0 =	sne.s32 s16, s7  }
.Ltmp3:
0x6f: {  	_ = 	snop;
	(pc) =	sbr.rel @p0 .LBB2_1-.Ltmp3, $4  }
0x70: {  	[hbm4b:s6+s2] =	stream.linear.scatter [tilespmem:s15], [sflag:$0x2], $0x4000, $0x38;
	[tilespmem:$0x12400] =	vst v63  }
0x71: {  	_ =	swait.ge [sflag:s8], $0x4000  }
0x72: {  	[sflag:s8] =	ssyncset.done $0x0  }
0x73: {  	[sflag:s8] =	ssyncadd.s32 $0xFFFFC000  }
0x74: {  	_ =	sfence.sel $0x180000  }
0x75: {  	[bflag:$0x0] =	sbarrier.arrive $0xFFFF  }
0x76: {  	p0 =	sne.s32 s1, $0x0;
	_ =	strace $0x90000047  }
0x77: {  	s0 =	sadd.s32 @!p0 $0x100000, s0;
	[bflag:$0x2] =	sbarrier.arrive $0xFFFF  }
0x78: {  	[sflag:s0] =	ssyncadd.tile.s32 @!p0 $0x1;
	_ =	shalt  }
.Lfunc_end2:
_tile_overlayer_lowered:
.L_overlay_start_2:
0x79: {  	(tag) =	ssettag $0x2  }
0x7a: {  	s0 =	rddreg [dreg:$0x0];
	s2 =	stileid.u32  }
0x7b: {  	s1 =	rddreg [dreg:$0x1];
	p0 =	sne.s32 s2, $0x0  }
0x7c: {  	s3 =	rddreg [dreg:$0x2];
	[bflag:$0x3] =	sbarrier.arrive $0xFFFF;
	s2 =	simm.s32 @!p0 $0x1C02  }
0x7d: {  	[timem:s3], [sflag:s2] =	dma.local @!p0 [hbm:s0], s1  }
0x7e: {  	s0 =	simm.s32 @!p0 $0x2  }
0x7f: {  	_ =	swait.ge @!p0 [sflag:s0], s1  }
0x80: {  	s1 =	ssub.s32 @!p0 $0x0, s1;
	[sflag:s0] =	ssyncset.done @!p0 $0x0  }
0x81: {  	[sflag:s0] =	ssyncadd.s32 @!p0 s1  }
0x82: {  	[bflag:$0x3] =	sbarrier.arrive $0xFFFF  }
0x83: {  	_ =	shalt  }

</sc_bundles>
